<compile_context>
chip_gen: v7x
topology: tpu7x:2x2x1
jax: 0.10.2.dev20260603
libtpu: 0.0.44.dev20260713+nightly
codegen_flags: <defaults>
</compile_context>

<pallas_src>
import functools

import jax
import jax.numpy as jnp
from jax import lax
from jax.experimental import pallas as pl
from jax.experimental.pallas import tpu as pltpu
from jax.experimental.pallas import tpu_sc as plsc

_VOCAB = 1000000
_EMBED = 32
_HIDDEN = 128
_BATCH = 4096
_SEQ = 200
_NTOK = _BATCH * _SEQ

_BLK = 65536
_NBLK = (_VOCAB + _BLK - 1) // _BLK

_GLANES = 128


def _mlp_body(tt_ref, w1t_ref, b1_ref, w2c_ref, b2_ref, y_ref):
    tt = tt_ref[...]
    h = jnp.dot(w1t_ref[...], tt, preferred_element_type=jnp.float32)
    h = jnp.maximum(h + b1_ref[...], 0.0)
    y = jnp.sum(h * w2c_ref[...], axis=0) + b2_ref[0, 0]
    y_ref[...] = y


def _precompute_y(table, W1, b1, W2, b2):
    y = pl.pallas_call(
        _mlp_body,
        grid=(_NBLK,),
        in_specs=[
            pl.BlockSpec((_EMBED, _BLK), lambda i: (0, i)),
            pl.BlockSpec((_HIDDEN, _EMBED), lambda i: (0, 0)),
            pl.BlockSpec((_HIDDEN, 1), lambda i: (0, 0)),
            pl.BlockSpec((_HIDDEN, 1), lambda i: (0, 0)),
            pl.BlockSpec((1, 1), lambda i: (0, 0)),
        ],
        out_specs=pl.BlockSpec((_BLK,), lambda i: (i,)),
        out_shape=jax.ShapeDtypeStruct((_VOCAB,), jnp.float32),
    )(table.T, W1.T, b1.reshape(_HIDDEN, 1), W2, b2.reshape(1, 1))
    return y


@functools.lru_cache(maxsize=None)
def _build_gather():
    info = plsc.get_sparse_core_info()
    nc, ns = info.num_cores, info.num_subcores
    nw = nc * ns
    cols = _BATCH // nw
    mesh = plsc.VectorSubcoreMesh(core_axis_name="c", subcore_axis_name="s")

    @functools.partial(
        pl.kernel,
        mesh=mesh,
        out_type=jax.ShapeDtypeStruct((_SEQ, _BATCH), jnp.float32),
        scratch_types=[
            pltpu.VMEM((_SEQ, cols), jnp.int32),
            pltpu.VMEM((_SEQ, cols), jnp.float32),
            pltpu.SemaphoreType.DMA,
        ],
    )
    def gather_k(idx_hbm, tab_hbm, out_hbm, idx_v, vals_v, sem):
        wid = lax.axis_index("s") * nc + lax.axis_index("c")
        base = wid * cols
        pltpu.sync_copy(idx_hbm.at[:, pl.ds(base, cols)], idx_v)

        def fire(j, c):
            pltpu.make_async_copy(
                tab_hbm.at[idx_v.at[j]], vals_v.at[j], sem).start()
            return c

        lax.fori_loop(0, _SEQ, fire, 0)

        def drain(j, c):
            pltpu.make_async_copy(
                tab_hbm.at[idx_v.at[j]], vals_v.at[j], sem).wait()
            return c

        lax.fori_loop(0, _SEQ, drain, 0)
        pltpu.sync_copy(vals_v, out_hbm.at[:, pl.ds(base, cols)])

    return gather_k


def kernel(text, embedding_table, W1, b1, W2, b2):
    y = _precompute_y(embedding_table, W1, b1, W2, b2)
    gather_k = _build_gather()
    out = gather_k(text.T, y)
    return out.T.reshape(_BATCH, _SEQ, 1)

# --- scband reference (transcript-rebuilt; emitter-appended) ---
"""Pipeline reference for scband-sentiment-classifier-84610855731205 (READ-ONLY COPY).

The authoritative reference and input builder live on the scoring server;
editing this copy changes nothing except your own understanding.
"""

import jax, jax.numpy as jnp
import numpy as np

VOCAB = 1000000
EMBED_DIM = 32
HIDDEN_DIM = 128
OUTPUT_DIM = 1
BATCH = 4096
SEQ = 200


def setup_inputs(seed: int = 0) -> dict:
    key = jax.random.key(seed)
    k_text, k_emb, k_w1, k_b1, k_w2, k_b2 = jax.random.split(key, 6)
    text = jax.random.randint(k_text, (BATCH, SEQ), 0, VOCAB, dtype=jnp.int64 if jax.config.jax_enable_x64 else jnp.int32).astype(jnp.int32)
    embedding_table = jax.random.normal(k_emb, (VOCAB, EMBED_DIM), dtype=jnp.float32)
    W1 = jax.random.normal(k_w1, (EMBED_DIM, HIDDEN_DIM), dtype=jnp.float32) * (1.0 / np.sqrt(EMBED_DIM))
    b1 = jax.random.normal(k_b1, (HIDDEN_DIM,), dtype=jnp.float32) * 0.01
    W2 = jax.random.normal(k_w2, (HIDDEN_DIM, OUTPUT_DIM), dtype=jnp.float32) * (1.0 / np.sqrt(HIDDEN_DIM))
    b2 = jax.random.normal(k_b2, (OUTPUT_DIM,), dtype=jnp.float32) * 0.01
    return {"text": text, "embedding_table": embedding_table, "W1": W1, "b1": b1, "W2": W2, "b2": b2}


def reference(text, embedding_table, W1, b1, W2, b2):
    # embedding lookup: gather rows from table
    embedded = jnp.take(embedding_table, text, axis=0)  # [B, L, E]
    hidden = jax.nn.relu(jnp.dot(embedded, W1) + b1)     # [B, L, H]
    output = jnp.dot(hidden, W2) + b2                    # [B, L, 1]
    return output

if __name__ == "__main__":
    import jax
    _d = setup_inputs()
    print(jax.jit(kernel)(*tuple(_d.values())))

</pallas_src>

<mosaic_0001>
#map = affine_map<(d0, d1) -> (0, 0)>
#map1 = affine_map<(d0, d1) -> (0)>
module attributes {stable_mosaic.version = 14 : i64} {
  func.func @gather_k(%arg0: i32, %arg1: i32, %arg2: memref<200x4096xi32, #tpu.memory_space<hbm>>, %arg3: memref<1000000xf32, #tpu.memory_space<hbm>>, %arg4: memref<200x4096xf32, #tpu.memory_space<hbm>>, %arg5: memref<200x128xi32, #tpu.memory_space<vmem>>, %arg6: memref<200x128xf32, #tpu.memory_space<vmem>>, %arg7: memref<!tpu.dma_semaphore, #tpu.memory_space<semaphore_mem>>) attributes {dimension_semantics = [#tpu.dimension_semantics<core_parallel>, #tpu.dimension_semantics<subcore_parallel>], iteration_bounds = array<i64: 2, 16>, scalar_prefetch = 0 : i64, scratch_operands = 3 : i64, tpu.core_type = #tpu.core_type<sc_vector_subcore>, window_params = [{transform_indices = #map}, {transform_indices = #map1}, {transform_indices = #map}]} {
    %mul3A = arith.constant 2 : i32
    %mul3A_0 = arith.muli %arg1, %mul3A : i32
    %add3A = arith.addi %mul3A_0, %arg0 : i32
    %mul3A_1 = arith.constant 128 : i32
    %mul3A_2 = arith.muli %add3A, %mul3A_1 : i32
    "tpu.region"() ({
      %run_scoped3A = tpu.sem_alloc : memref<!tpu.dma_semaphore, #tpu.memory_space<semaphore_mem>>
      %dma_start3A = arith.constant 0 : i32
      %dma_start3A_14 = tpu.memref_slice %arg2[%dma_start3A, %mul3A_2] : memref<200x4096xi32, #tpu.memory_space<hbm>> -> memref<200x128xi32, #tpu.memory_space<hbm>>
      %dma_start3A_15 = arith.constant 0 : i32
      %dma_start3A_16 = tpu.memref_slice %arg2[%dma_start3A_15, %mul3A_2] : memref<200x4096xi32, #tpu.memory_space<hbm>> -> memref<200x128xi32, #tpu.memory_space<hbm>>
      tpu.enqueue_dma source(%dma_start3A_16 : memref<200x128xi32, #tpu.memory_space<hbm>>) target(%arg5 : memref<200x128xi32, #tpu.memory_space<vmem>>) target_semaphore(%run_scoped3A : memref<!tpu.dma_semaphore, #tpu.memory_space<semaphore_mem>>)
      %dma_wait3A = arith.constant 0 : i32
      %dma_wait3A_17 = tpu.memref_slice %arg2[%dma_wait3A, %mul3A_2] : memref<200x4096xi32, #tpu.memory_space<hbm>> -> memref<200x128xi32, #tpu.memory_space<hbm>>
      %dma_wait3A_18 = arith.constant 0 : i32
      %dma_wait3A_19 = tpu.memref_slice %arg2[%dma_wait3A_18, %mul3A_2] : memref<200x4096xi32, #tpu.memory_space<hbm>> -> memref<200x128xi32, #tpu.memory_space<hbm>>
      tpu.wait_dma2 semaphore(%run_scoped3A : memref<!tpu.dma_semaphore, #tpu.memory_space<semaphore_mem>>) src(%dma_wait3A_19 : memref<200x128xi32, #tpu.memory_space<hbm>>) dst(%arg5 : memref<200x128xi32, #tpu.memory_space<vmem>>)
      tpu.yield
    }) : () -> ()
    %scan3A = arith.constant 0 : i32
    %scan3A_3 = arith.constant 0 : i32
    %scan3A_4 = arith.constant 200 : i32
    %scan3A_5 = arith.addi %scan3A_3, %scan3A_4 : i32
    %scan3A_6 = arith.constant 1 : i32
    scf.for %scan3A_14 = %scan3A_3 to %scan3A_5 step %scan3A_6  : i32 {
      %dma_start3A = arith.constant 0 : i32
      %dma_start3A_15 = tpu.memref_slice %arg6[%scan3A_14, %dma_start3A] : memref<200x128xf32, #tpu.memory_space<vmem>> -> memref<1x128xf32, #tpu.memory_space<vmem>>
      %dma_start3A_16 = tpu.memref_squeeze %dma_start3A_15 : memref<1x128xf32, #tpu.memory_space<vmem>> -> memref<128xf32, #tpu.memory_space<vmem>>
      %dma_start3A_17 = arith.constant 0 : i32
      %dma_start3A_18 = tpu.memref_slice %arg5[%scan3A_14, %dma_start3A_17] : memref<200x128xi32, #tpu.memory_space<vmem>> -> memref<1x128xi32, #tpu.memory_space<vmem>>
      %dma_start3A_19 = tpu.memref_squeeze %dma_start3A_18 : memref<1x128xi32, #tpu.memory_space<vmem>> -> memref<128xi32, #tpu.memory_space<vmem>>
      %dma_start3A_20 = arith.constant 0 : i32
      %dma_start3A_21 = tpu.memref_slice %arg3[%dma_start3A_20] : memref<1000000xf32, #tpu.memory_space<hbm>> -> memref<1000000xf32, #tpu.memory_space<hbm>>
      tpu.enqueue_indirect_dma source(%dma_start3A_21 : memref<1000000xf32, #tpu.memory_space<hbm>>) target(%dma_start3A_16 : memref<128xf32, #tpu.memory_space<vmem>>) offsets(%dma_start3A_19 : memref<128xi32, #tpu.memory_space<vmem>>) semaphore(%arg7 : memref<!tpu.dma_semaphore, #tpu.memory_space<semaphore_mem>>)
    }
    %scan3A_7 = arith.constant 200 : i32
    %scan3A_8 = arith.constant 0 : i32
    %scan3A_9 = arith.constant 0 : i32
    %scan3A_10 = arith.constant 200 : i32
    %scan3A_11 = arith.addi %scan3A_9, %scan3A_10 : i32
    %scan3A_12 = arith.constant 1 : i32
    scf.for %scan3A_14 = %scan3A_9 to %scan3A_11 step %scan3A_12  : i32 {
      %dma_wait3A = arith.constant 0 : i32
      %dma_wait3A_15 = tpu.memref_slice %arg6[%scan3A_14, %dma_wait3A] : memref<200x128xf32, #tpu.memory_space<vmem>> -> memref<1x128xf32, #tpu.memory_space<vmem>>
      %dma_wait3A_16 = tpu.memref_squeeze %dma_wait3A_15 : memref<1x128xf32, #tpu.memory_space<vmem>> -> memref<128xf32, #tpu.memory_space<vmem>>
      %dma_wait3A_17 = arith.constant 0 : i32
      %dma_wait3A_18 = tpu.memref_slice %arg5[%scan3A_14, %dma_wait3A_17] : memref<200x128xi32, #tpu.memory_space<vmem>> -> memref<1x128xi32, #tpu.memory_space<vmem>>
      %dma_wait3A_19 = tpu.memref_squeeze %dma_wait3A_18 : memref<1x128xi32, #tpu.memory_space<vmem>> -> memref<128xi32, #tpu.memory_space<vmem>>
      %dma_wait3A_20 = arith.constant 0 : i32
      %dma_wait3A_21 = tpu.memref_slice %arg3[%dma_wait3A_20] : memref<1000000xf32, #tpu.memory_space<hbm>> -> memref<1000000xf32, #tpu.memory_space<hbm>>
      tpu.wait_indirect_dma semaphore(%arg7 : memref<!tpu.dma_semaphore, #tpu.memory_space<semaphore_mem>>) src(%dma_wait3A_21 : memref<1000000xf32, #tpu.memory_space<hbm>>) dst(%dma_wait3A_16 : memref<128xf32, #tpu.memory_space<vmem>>)
    }
    %scan3A_13 = arith.constant 200 : i32
    "tpu.region"() ({
      %run_scoped3A = tpu.sem_alloc : memref<!tpu.dma_semaphore, #tpu.memory_space<semaphore_mem>>
      %dma_start3A = arith.constant 0 : i32
      %dma_start3A_14 = tpu.memref_slice %arg4[%dma_start3A, %mul3A_2] : memref<200x4096xf32, #tpu.memory_space<hbm>> -> memref<200x128xf32, #tpu.memory_space<hbm>>
      %dma_start3A_15 = arith.constant 0 : i32
      %dma_start3A_16 = tpu.memref_slice %arg4[%dma_start3A_15, %mul3A_2] : memref<200x4096xf32, #tpu.memory_space<hbm>> -> memref<200x128xf32, #tpu.memory_space<hbm>>
      tpu.enqueue_dma source(%arg6 : memref<200x128xf32, #tpu.memory_space<vmem>>) target(%dma_start3A_16 : memref<200x128xf32, #tpu.memory_space<hbm>>) target_semaphore(%run_scoped3A : memref<!tpu.dma_semaphore, #tpu.memory_space<semaphore_mem>>)
      %dma_wait3A = arith.constant 0 : i32
      %dma_wait3A_17 = tpu.memref_slice %arg4[%dma_wait3A, %mul3A_2] : memref<200x4096xf32, #tpu.memory_space<hbm>> -> memref<200x128xf32, #tpu.memory_space<hbm>>
      %dma_wait3A_18 = arith.constant 0 : i32
      %dma_wait3A_19 = tpu.memref_slice %arg4[%dma_wait3A_18, %mul3A_2] : memref<200x4096xf32, #tpu.memory_space<hbm>> -> memref<200x128xf32, #tpu.memory_space<hbm>>
      tpu.wait_dma2 semaphore(%run_scoped3A : memref<!tpu.dma_semaphore, #tpu.memory_space<semaphore_mem>>) src(%arg6 : memref<200x128xf32, #tpu.memory_space<vmem>>) dst(%dma_wait3A_19 : memref<200x128xf32, #tpu.memory_space<hbm>>)
      tpu.yield
    }) : () -> ()
    return
  }
}

module attributes {stable_mosaic.version = 14 : i64} {
  func.func @_mlp_body(%arg0: i32, %arg1: memref<32x65536xf32, #tpu.memory_space<vmem>>, %arg2: memref<128x32xf32, #tpu.memory_space<vmem>>, %arg3: memref<128x1xf32, #tpu.memory_space<vmem>>, %arg4: memref<128x1xf32, #tpu.memory_space<vmem>>, %arg5: memref<1x1xf32, #tpu.memory_space<vmem>>, %arg6: memref<65536xf32, #tpu.memory_space<vmem>>) attributes {dimension_semantics = [#tpu.dimension_semantics<arbitrary>], iteration_bounds = array<i64: 16>, scalar_prefetch = 0 : i64, scratch_operands = 0 : i64, tpu.core_type = #tpu.core_type<tc>, window_params = [{transform_indices = @transform_0, window_bounds = array<i64: 32, 65536>}, {pipeline_mode = #tpu.pipeline_mode<synchronous>, transform_indices = @transform_1, window_bounds = array<i64: 128, 32>}, {pipeline_mode = #tpu.pipeline_mode<synchronous>, transform_indices = @transform_2, window_bounds = array<i64: 128, 1>}, {pipeline_mode = #tpu.pipeline_mode<synchronous>, transform_indices = @transform_3, window_bounds = array<i64: 128, 1>}, {pipeline_mode = #tpu.pipeline_mode<synchronous>, transform_indices = @transform_4, window_bounds = array<i64: 1, 1>}, {transform_indices = @transform_5, window_bounds = array<i64: 65536>}]} {
    %get3A = arith.constant 0 : index
    %get3A_0 = arith.constant 0 : index
    %get3A_1 = vector.load %arg1[%get3A, %get3A_0] : memref<32x65536xf32, #tpu.memory_space<vmem>>, vector<32x65536xf32>
    %get3A_2 = arith.constant 0 : index
    %get3A_3 = arith.constant 0 : index
    %get3A_4 = vector.load %arg2[%get3A_2, %get3A_3] : memref<128x32xf32, #tpu.memory_space<vmem>>, vector<128x32xf32>
    %dot_general3A = arith.constant dense<0.000000e+00> : vector<128x65536xf32>
    %dot_general3A_5 = tpu.matmul %get3A_4, %get3A_1, %dot_general3A {dimension_numbers = #tpu.dot_dimension_numbers<[1], [0], [0], [1], [0, 0, 1, 1], [], []>, transpose_lhs_hint = false} : vector<128x32xf32>, vector<32x65536xf32>, vector<128x65536xf32> -> vector<128x65536xf32>
    %get3A_6 = arith.constant 0 : index
    %get3A_7 = arith.constant 0 : index
    %get3A_8 = vector.load %arg3[%get3A_6, %get3A_7] : memref<128x1xf32, #tpu.memory_space<vmem>>, vector<128x1xf32>
    %add3A = vector.broadcast %get3A_8 : vector<128x1xf32> to vector<128x65536xf32>
    %add3A_9 = arith.addf %dot_general3A_5, %add3A : vector<128x65536xf32>
    %max3A = arith.constant 0.000000e+00 : f32
    %max3A_10 = vector.broadcast %max3A : f32 to vector<128x65536xf32>
    %max3A_11 = arith.maximumf %add3A_9, %max3A_10 : vector<128x65536xf32>
    %get3A_12 = arith.constant 0 : index
    %get3A_13 = arith.constant 0 : index
    %get3A_14 = vector.load %arg4[%get3A_12, %get3A_13] : memref<128x1xf32, #tpu.memory_space<vmem>>, vector<128x1xf32>
    %mul3A = vector.broadcast %get3A_14 : vector<128x1xf32> to vector<128x65536xf32>
    %mul3A_15 = arith.mulf %max3A_11, %mul3A : vector<128x65536xf32>
    %reduce_sum3A = arith.constant dense<0.000000e+00> : vector<65536xf32>
    %reduce_sum3A_16 = vector.multi_reduction <add>, %mul3A_15, %reduce_sum3A [0] : vector<128x65536xf32> to vector<65536xf32>
    %get3A_17 = arith.constant 0 : index
    %get3A_18 = arith.constant 0 : index
    %get3A_19 = vector.load %arg5[%get3A_17, %get3A_18] : memref<1x1xf32, #tpu.memory_space<vmem>>, vector<1x1xf32>
    %get3A_20 = vector.extract %get3A_19[0, 0] : f32 from vector<1x1xf32>
    %add3A_21 = vector.broadcast %get3A_20 : f32 to vector<65536xf32>
    %add3A_22 = arith.addf %reduce_sum3A_16, %add3A_21 : vector<65536xf32>
    %swap3A = arith.constant 0 : index
    %swap3A_23 = vector.load %arg6[%swap3A] : memref<65536xf32, #tpu.memory_space<vmem>>, vector<65536xf32>
    tpu.vector_store %arg6[%swap3A], %add3A_22 {strides = array<i32>} : memref<65536xf32, #tpu.memory_space<vmem>>, vector<65536xf32>,
    return
  }
  func.func @transform_0(%arg0: i32) -> (i32, i32) {
    %c0_i32 = arith.constant 0 : i32
    %c0_i32_0 = arith.constant 0 : i32
    return %c0_i32, %arg0 : i32, i32
  }
  func.func @transform_1(%arg0: i32) -> (i32, i32) {
    %c0_i32 = arith.constant 0 : i32
    %c0_i32_0 = arith.constant 0 : i32
    %c0_i32_1 = arith.constant 0 : i32
    return %c0_i32, %c0_i32_0 : i32, i32
  }
  func.func @transform_2(%arg0: i32) -> (i32, i32) {
    %c0_i32 = arith.constant 0 : i32
    %c0_i32_0 = arith.constant 0 : i32
    %c0_i32_1 = arith.constant 0 : i32
    return %c0_i32, %c0_i32_0 : i32, i32
  }
  func.func @transform_3(%arg0: i32) -> (i32, i32) {
    %c0_i32 = arith.constant 0 : i32
    %c0_i32_0 = arith.constant 0 : i32
    %c0_i32_1 = arith.constant 0 : i32
    return %c0_i32, %c0_i32_0 : i32, i32
  }
  func.func @transform_4(%arg0: i32) -> (i32, i32) {
    %c0_i32 = arith.constant 0 : i32
    %c0_i32_0 = arith.constant 0 : i32
    %c0_i32_1 = arith.constant 0 : i32
    return %c0_i32, %c0_i32_0 : i32, i32
  }
  func.func @transform_5(%arg0: i32) -> i32 {
    %c0_i32 = arith.constant 0 : i32
    return %arg0 : i32
  }
}

</mosaic_0001>

<sc_bundles>
// kernel: kernel.4.cloned.1.call-start
scs
__scs_entry_jumppad:
0x0: {  	(pc) =	sbr.rel $0x88, $3  }
0x1: {  	(tag) =	ssettag $0x0;
	lr =	simm.s32 $0x1  }
0x2: {  	[smem:$0x3F9B] =	sst lr;
	_ =	strace $0xD0000000  }
0x3: {  	_ = 	snop  }
0x4: {  	_ = 	snop  }
0x5: {  	_ = 	snop  }
0x6: {  	_ = 	snop  }
0x7: {  	_ = 	snop  }
__scs_overlays_trampoline_lowered:
0x8: {  	[smem:$0x3FAA] =	sst s0  }
0x9: {  	[smem:$0x3FAB] =	sst s1  }
0xa: {  	[smem:$0x3FAC] =	sst s2  }
0xb: {  	[smem:$0x3FAD] =	sst s3  }
0xc: {  	[smem:$0x3FAE] =	sst s4  }
0xd: {  	[smem:$0x3FAF] =	sst s5  }
0xe: {  	[smem:$0x3FB0] =	sst s6  }
0xf: {  	[smem:$0x3FB1] =	sst s7  }
0x10: {  	[smem:$0x3FB2] =	sst s8  }
0x11: {  	[smem:$0x3FB3] =	sst s9;
	s0 =	simm.s32 @!p0 $0x0  }
0x12: {  	s1 =	sld [smem:$0x3F99];
	s0 =	simm.s32 @p0 $0x1  }
0x13: {  	[smem:$0x3FB4] =	sst s0;
	s0 =	simm.s32 @!p1 $0x0  }
0x14: {  	s2 =	sld [smem:$0x3F98];
	s0 =	simm.s32 @p1 $0x1  }
0x15: {  	[smem:$0x3FB5] =	sst s0;
	s0 =	simm.s32 @!p2 $0x0  }
0x16: {  	s3 =	sld [smem:$0x3FDB];
	s0 =	simm.s32 @p2 $0x1  }
0x17: {  	s4 =	simm.s32 $0x1BF5;
	[smem:$0x3FB7] =	sst s0  }
0x18: {  	s0 =	sld [smem:$0x3F9A];
	_ =	swait.ge [sflag:s4], $0x0  }
0x19: {  	s7 =	sld [smem:$0x3F9B]  }
0x1a: {  	s8 =	sadd.s32 $0xFFFFE003, lr  }
0x1b: {  	s9 =	sadd.s32 $0xFFFFFEF7, lr;
	s5 =	simm.s32 $0xFFFFFFFF;
	p2 =	slt.u32 s8, $0xFFFFF086  }
0x1c: {  	p1 =	slt.u32 s9, $0xF7A;
	s5 =	simm.s32 @!p2 $0x0  }
0x1d: {  	s5 =	simm.s32 @p1 $0x1;
	p0 =	seq.s32 s7, s2  }
0x1e: {  	s7 =	smul.u32 @!p0 $0xF7A, s2;
	p2 =	seq.s32 @!p0 s5, $0x0  }
0x1f: {  	s9 =	smul.u32 $0xF7A, s1;
	s8 =	simm.s32 @!p0 $0x1BF5;
	p2 =	por !p2, p0  }
0x20: {  	[sflag:s8] =	ssyncset.s32 @!p0 $0xFFFFF086;
	s6 =	sadd.s32 @!p0 s3, s7;
	s7 =	simm.s32 @!p0 $0x108  }
0x21: {  	s3 =	sadd.s32 s3, s9;
	s6 =	sadd.s32 @!p0 $0x88, s6;
	s7 =	simm.s32 @p2 $0x1082  }
0x22: {  	[simem:s7], [sflag:s8] =	dma.local @!p0 [hbm:s6], $0xF7A  }
0x23: {  	s9 =	sor.u32 $0xD0000000, s2;
	s6 =	simm.s32 $0x108;
	_ =	swait.ge @!p0 [sflag:s8], $0x0  }
0x24: {  	s3 =	sadd.s32 $0x88, s3;
	s6 =	simm.s32 @!p1 $0x1082;
	[sflag:s4] =	ssyncset.s32 $0xFFFFF086  }
0x25: {  	[simem:s6], [sflag:s4] =	dma.local [hbm:s3], $0xF7A  }
0x26: {  	[smem:$0x3F9B] =	sst s1;
	(tag) =	ssettag s2;
	_ =	strace s9  }
0x27: {  	s1 =	sld [smem:$0x3FAB]  }
0x28: {  	s2 =	sld [smem:$0x3FAC]  }
0x29: {  	s4 =	sld [smem:$0x3FAE]  }
0x2a: {  	p0 =	seq.s32 s5, $0x0;
	s5 =	sld [smem:$0x3FAF]  }
0x2b: {  	s6 =	sld [smem:$0x3FB0]  }
0x2c: {  	s7 =	sld [smem:$0x3FB1]  }
0x2d: {  	s3 =	simm.s32 $0x108;
	s8 =	sld [smem:$0x3FB2]  }
0x2e: {  	s3 =	simm.s32 @!p0 $0x1082;
	s9 =	sld [smem:$0x3FB3]  }
0x2f: {  	lr =	sadd.s32 s0, s3;
	s0 =	sld [smem:$0x3FAA]  }
0x30: {  	s3 =	sld [smem:$0x3FAD]  }
0x31: {  	[smem:$0x3FB6] =	sst s10  }
0x32: {  	s10 =	sld [smem:$0x3FB4];
	_ =	sdelay $0x3  }
0x33: {  	p0 =	seq.s32 s10, $0x1;
	s10 =	sld [smem:$0x3FB6];
	_ =	sdelay $0x3  }
0x34: {  	[smem:$0x3FB6] =	sst s10  }
0x35: {  	s10 =	sld [smem:$0x3FB5];
	_ =	sdelay $0x3  }
0x36: {  	p1 =	seq.s32 s10, $0x1;
	s10 =	sld [smem:$0x3FB6];
	_ =	sdelay $0x3  }
0x37: {  	[smem:$0x3FB6] =	sst s10  }
0x38: {  	s10 =	sld [smem:$0x3FB7]  }
0x39: {  	_ = 	snop;
	(pc) =	sbr.ind lr, $3  }
0x3a: {  	_ = 	snop  }
0x3b: {  	_ = 	snop  }
0x3c: {  	p2 =	seq.s32 s10, $0x1;
	s10 =	sld [smem:$0x3FB6]  }
0x3d: {  	_ =	shalt  }
0x3e: {  	_ =	shalt  }
0x3f: {  	_ =	shalt  }
0x40: {  	_ =	shalt  }
0x41: {  	_ =	shalt  }
0x42: {  	_ =	shalt  }
0x43: {  	_ =	shalt  }
0x44: {  	_ =	shalt  }
0x45: {  	_ =	shalt  }
0x46: {  	_ =	shalt  }
0x47: {  	_ =	shalt  }
0x48: {  	_ =	shalt  }
0x49: {  	_ =	shalt  }
0x4a: {  	_ =	shalt  }
0x4b: {  	_ =	shalt  }
0x4c: {  	_ =	shalt  }
0x4d: {  	_ =	shalt  }
0x4e: {  	_ =	shalt  }
0x4f: {  	_ =	shalt  }
0x50: {  	_ =	shalt  }
0x51: {  	_ =	shalt  }
0x52: {  	_ =	shalt  }
0x53: {  	_ =	shalt  }
0x54: {  	_ =	shalt  }
0x55: {  	_ =	shalt  }
0x56: {  	_ =	shalt  }
0x57: {  	_ =	shalt  }
0x58: {  	_ =	shalt  }
0x59: {  	_ =	shalt  }
0x5a: {  	_ =	shalt  }
0x5b: {  	_ =	shalt  }
0x5c: {  	_ =	shalt  }
0x5d: {  	_ =	shalt  }
0x5e: {  	_ =	shalt  }
0x5f: {  	_ =	shalt  }
0x60: {  	_ =	shalt  }
0x61: {  	_ =	shalt  }
0x62: {  	_ =	shalt  }
0x63: {  	_ =	shalt  }
0x64: {  	_ =	shalt  }
0x65: {  	_ =	shalt  }
0x66: {  	_ =	shalt  }
0x67: {  	_ =	shalt  }
0x68: {  	_ =	shalt  }
0x69: {  	_ =	shalt  }
0x6a: {  	_ =	shalt  }
0x6b: {  	_ =	shalt  }
0x6c: {  	_ =	shalt  }
0x6d: {  	_ =	shalt  }
0x6e: {  	_ =	shalt  }
0x6f: {  	_ =	shalt  }
0x70: {  	_ =	shalt  }
0x71: {  	_ =	shalt  }
0x72: {  	_ =	shalt  }
0x73: {  	_ =	shalt  }
0x74: {  	_ =	shalt  }
0x75: {  	_ =	shalt  }
0x76: {  	_ =	shalt  }
0x77: {  	_ =	shalt  }
0x78: {  	_ =	shalt  }
0x79: {  	_ =	shalt  }
0x7a: {  	_ =	shalt  }
0x7b: {  	_ =	shalt  }
0x7c: {  	_ =	shalt  }
0x7d: {  	_ =	shalt  }
0x7e: {  	_ =	shalt  }
0x7f: {  	_ =	shalt  }
0x80: {  	_ =	shalt  }
0x81: {  	_ =	shalt  }
0x82: {  	_ =	shalt  }
0x83: {  	_ =	shalt  }
0x84: {  	_ =	shalt  }
0x85: {  	_ =	shalt  }
0x86: {  	_ =	shalt  }
0x87: {  	_ =	shalt  }
.Lfunc_end0:
.L_simem_size_0:
called_computation_lowered:
.L_overlay_start_0:
0x88: {  	s2 =	sld [smem:$0x3FD9]  }
0x89: {  	s3 =	sld [smem:$0x3FFE];
	_ =	sdelay $0x1  }
0x8a: {  	s1 =	srdreg.scid  }
0x8b: {  	s0 =	sand.u32 $0x1, s1  }
0x8c: {  	s17 =	sshll.u32 s0, $0xA;
	s2 =	sadd.s32 s3, s2  }
0x8d: {  	s2 =	sadd.s32 s2, s17  }
0x8e: {  	[smem:$0x3FC2] =	sst s2  }
0x8f: {  	_ = 	snop  }
0x90: {  	s2 =	sld [smem:$0x3FC9];
	(tm) =	ssettm $0x1  }
0x91: {  	s18 =	sld [smem:$0x3FFB];
	_ =	sdelay $0x3  }
0x92: {  	_ =	strace s18  }
0x93: {  	s3 =	sld [smem:$0x3FFC];
	_ =	sdelay $0x3  }
0x94: {  	_ =	strace s3  }
0x95: {  	s3 =	sld [smem:$0x3FFD];
	_ =	sdelay $0x3  }
0x96: {  	_ =	strace s3  }
0x97: {  	_ =	strace $0x8FFFFFFF  }
0x98: {  	s19 =	sld [smem:$0x3FDB];
	_ =	sdelay $0x1  }
0x99: {  	s4 =	simm.s32 $_scs_section_size  }
0x9a: {  	s5 =	simm.s32 $_size__tile_overlayer_lowered;
	s6 =	simm.s32 $_tile_overlayer_lowered  }
0x9b: {  	s22 =	simm.s32 $0x1BFF;
	s21 =	sshll.u32 s6, $0x1;
	s3 =	sadd.s32 s4, s19  }
0x9c: {  	s7 =	simm.s32 $0x0;
	s20 =	sshll.u32 s5, $0x1;
	s5 =	sadd.s32 s21, s3  }
0x9d: {  	[timem:s7], [sflag:s22] =	dma.local [hbm:s5], s20  }
0x9e: {  	_ =	swait.ge [sflag:s22], s20  }
0x9f: {  	s4 =	ssub.s32 $0x0, s20;
	[sflag:s22] =	ssyncset.done $0x0  }
0xa0: {  	[sflag:s22] =	ssyncadd.s32 s4;
	_ =	sdelay $0x1  }
0xa1: {  	s23 =	simm.s32 $0x1B8B  }
0xa2: {  	_ =	swait.ge [sflag:s23], $0x1  }
0xa3: {  	[sflag:s23] =	ssyncset.done $0x0  }
0xa4: {  	s25 =	simm.s32 $0x1B8E;
	s24 =	sld [smem:$0x3FFE];
	[sflag:s23] =	ssyncadd.s32 $0xFFFFFFFF  }
0xa5: {  	s26 =	simm.s32 $execute0_lowered;
	[smem:$0x3FD2] =	sst s25  }
0xa6: {  	s5 =	sshll.u32 s26, $0x1;
	_ =	strace $0x80000046;
	[dreg:$0x1] =	wrdreg $0xFFFFFFFF  }
0xa7: {  	s28 =	simm.s32 $_size_execute0_lowered;
	s3 =	sadd.s32 s3, s5;
	[dreg:$0x0] =	wrdreg $0x0  }
0xa8: {  	s5 =	sshll.u32 s28, $0x1;
	[dreg:$0x2] =	wrdreg s3  }
0xa9: {  	[dreg:$0x3] =	wrdreg s5  }
0xaa: {  	[dreg:$0x4] =	wrdreg $0xC0  }
0xab: {  	_ =	task [dreg:s7], $0x5FFFF  }
0xac: {  	[dreg:$0x1] =	wrdreg $0xFFFFFFFF  }
0xad: {  	[dreg:$0x0] =	wrdreg $0x60  }
0xae: {  	[dreg:$0x2] =	wrdreg s2  }
0xaf: {  	[dreg:$0x3] =	wrdreg s24  }
0xb0: {  	[dreg:$0x4] =	wrdreg $0x9  }
0xb1: {  	_ =	task.clear_ibuf [dreg:s7], $0x5FFFF;
	_ =	strace $0x90000046  }
0xb2: {  	s29 =	simm.s32 $0x9;
	_ =	strace $0x80000048  }
0xb3: {  	_ =	swait.ge [sflag:s29], $0x1  }
0xb4: {  	[sflag:s29] =	ssyncadd.s32 $0xFFFFFFFF  }
0xb5: {  	_ =	strace $0x90000048  }
0xb6: {  	_ =	sfence  }
0xb7: {  	s30 =	sld [smem:$0x0];
	_ =	sdelay $0x2  }
0xb8: {  	s31 =	sshll.u32 s1, $0xD;
	s1 =	sshrl.u32 s1, $0x2  }
0xb9: {  	s3 =	sand.u32 $0x4000, s31;
	s1 =	sadd.s32 s1, s30  }
0xba: {  	s0 =	sor.u32 s3, s0;
	s1 =	sshll.u32 s1, $0x11  }
0xbb: {  	s0 =	sor.u32 s1, s0  }
0xbc: {  	s0 =	sadd.s32 $0x8F2B, s0  }
0xbd: {  	[sflag:s0] =	ssyncadd.remote.s32 $0x1  }
0xbe: {  	_ =	sfence.sel $0xFFFF  }
0xbf: {  	[dreg:$0x0] =	wrdreg $0xFFFFFFFF;
	(pc) =	sbr.abs _section_cstart, $3  }
0xc0: {  	[dreg:$0x1] =	wrdreg $0xFFFFFFFF  }
0xc1: {  	_ =	task.clear_ibuf [dreg:s7], $0x2FFFF;
	_ =	strace $0x9FFFFFFF  }
0xc2: {  	(tm) =	ssettm $0x7FFFFFFF  }
0xc3: {  	_ =	shalt  }
tec
execute0_lowered:
.L_overlay_start_1:
0x0: {  	(tag) =	ssettag $0x1  }
0x1: {  	s4 =	rddreg [dreg:$0x0]  }
0x2: {  	s5 =	rddreg [dreg:$0x1]  }
0x3: {  	s0 =	rddreg [dreg:$0x2]  }
0x4: {  	s2 =	simm.s32 $0x0;
	s3 =	srdreg.scid;
	s1 =	stileid.u32  }
0x5: {  	s9 =	simm.s32 $0x2;
	s10 =	simm.s32 $0x80;
	s11 =	simm.s32 $0x1  }
0x6: {  	s12 =	simm.s32 $0x6400;
	s13 =	simm.s32 $0x0;
	s3 =	sand.u32 $0x1, s3  }
0x7: {  	[smem:$0x7FF] =	sst s2;
	s6 =	sshll.u32 s1, $0x8;
	s7 =	sshll.u32 s3, $0x7  }
0x8: {  	_ =	strace $0x80000047;
	s8 =	ssub.s32 $0x2, s3;
	s6 =	sor.u32 s7, s6  }
0x9: {  	s3 =	sadd.s32 $0x600, s5;
	s31 =	sshrl.u32 s8, $0x1;
	s5 =	sadd.s32 s6, s5  }
0xa: {  	s7 =	ssub.s32 s8, s31;
	s4 =	sadd.s32 s4, s6;
	s8 =	simm.s32 $0x8000  }
0xb: {  	s5 =	sadd.s32 $0x1F000, s5;
	s6 =	smax.u32 s7, $0x1;
	s7 =	simm.s32 $0x400  }
.LBB2_1:
0xc: {  	[tilespmem:s2], [sflag:$0x2] =	stream.strided.gather [hbm4b:s4+s7], $0x6400, s8, s7, $0x38;
	[tilespmem:$0xC800] =	vst v63  }
0xd: {  	_ =	swait.ge [sflag:s9], $0x6400  }
0xe: {  	[sflag:s9] =	ssyncset.done $0x0  }
0xf: {  	s14 =	simm.s32 $0x0;
	[sflag:s9] =	ssyncadd.s32 $0xFFFF9C00  }
.LBB2_2:
0x10: {  	p0 =	sne.s32 s14, $0x18E00  }
.Ltmp0:
0x11: {  	_ = 	snop;
	(pc) =	sbr.rel @p0 .LBB2_2-.Ltmp0, $4  }
0x12: {  	_ = 	snop  }
0x13: {  	s15 =	sshra.s32 s14, $0x2  }
0x14: {  	s14 =	sadd.s32 $0x200, s14;
	s16 =	sadd.s32 $0x6400, s15  }
0x15: {  	[tilespmem:s16], [sflag:$0x1] =	stream.indirect.gather [hbm4b:s3+s10], $0x1, s15, s10, $0xb8;
	[tilespmem:$0xC800] =	vst v63  }
0x16: {  	_ =	swait.ge [sflag:s11], $0x80  }
0x17: {  	s14 =	simm.s32 $0xC7;
	[sflag:s11] =	ssyncset.done $0x0  }
.LBB2_4:
0x18: {  	p0 =	sne.s32 s14, $0x1;
	s14 =	sadd.s32 $0xFFFFFFFF, s14;
	[sflag:s11] =	ssyncadd.s32 $0xFFFFFF80  }
.Ltmp1:
0x19: {  	(pc) =	sbr.rel @p0 .LBB2_4-.Ltmp1, $3  }
0x1a: {  	_ =	sdelay $0x1  }
0x1b: {  	_ =	swait.ge [sflag:s11], $0x80  }
0x1c: {  	[sflag:s11] =	ssyncset.done $0x0  }
0x1d: {  	s13 =	sadd.s32 $0x1, s13  }
0x1e: {  	p0 =	sne.s32 s13, s6  }
.Ltmp2:
0x1f: {  	[sflag:s11] =	ssyncadd.s32 $0xFFFFFF80;
	(pc) =	sbr.rel @p0 .LBB2_1-.Ltmp2, $4  }
0x20: {  	[hbm4b:s5+s7] =	stream.strided.scatter [tilespmem:s12], [sflag:$0x2], $0x6400, s8, s7, $0x38;
	[tilespmem:$0xC800] =	vst v63  }
0x21: {  	_ =	swait.ge [sflag:s9], $0x6400  }
0x22: {  	[sflag:s9] =	ssyncset.done $0x0  }
0x23: {  	[sflag:s9] =	ssyncadd.s32 $0xFFFF9C00  }
0x24: {  	_ =	sfence.sel $0x180000  }
0x25: {  	[bflag:$0x0] =	sbarrier.arrive $0xFFFF  }
0x26: {  	p0 =	sne.s32 s1, $0x0;
	_ =	strace $0x90000047  }
0x27: {  	s0 =	sadd.s32 @!p0 $0x100000, s0;
	[bflag:$0x2] =	sbarrier.arrive $0xFFFF  }
0x28: {  	[sflag:s0] =	ssyncadd.tile.s32 @!p0 $0x1;
	_ =	shalt  }
.Lfunc_end2:
_tile_overlayer_lowered:
.L_overlay_start_2:
0x29: {  	(tag) =	ssettag $0x2  }
0x2a: {  	s0 =	rddreg [dreg:$0x0];
	s2 =	stileid.u32  }
0x2b: {  	s1 =	rddreg [dreg:$0x1];
	p0 =	sne.s32 s2, $0x0  }
0x2c: {  	s3 =	rddreg [dreg:$0x2];
	[bflag:$0x3] =	sbarrier.arrive $0xFFFF;
	s2 =	simm.s32 @!p0 $0x1C02  }
0x2d: {  	[timem:s3], [sflag:s2] =	dma.local @!p0 [hbm:s0], s1  }
0x2e: {  	s0 =	simm.s32 @!p0 $0x2  }
0x2f: {  	_ =	swait.ge @!p0 [sflag:s0], s1  }
0x30: {  	s1 =	ssub.s32 @!p0 $0x0, s1;
	[sflag:s0] =	ssyncset.done @!p0 $0x0  }
0x31: {  	[sflag:s0] =	ssyncadd.s32 @!p0 s1  }
0x32: {  	[bflag:$0x3] =	sbarrier.arrive $0xFFFF  }
0x33: {  	_ =	shalt  }

</sc_bundles>
